<compile_context>
chip_gen: v7x
topology: tpu7x:2x2x1
jax: 0.10.2.dev20260603
libtpu: 0.0.44.dev20260713+nightly
codegen_flags: <defaults>
</compile_context>

<pallas_src>
import functools

import jax
import jax.numpy as jnp
from jax import lax
from jax.experimental import pallas as pl
from jax.experimental.pallas import tpu as pltpu
from jax.experimental.pallas import tpu_sc as plsc

_DIM = 256
_NE = 8192
_NT = 9216
_TM = 512
_TN = 2048
_NW = 4
_COMMIT = 1.0


def _argmin_body(e_ref, x_ref, e2_ref, x2_ref, ind_ref, loss_ref,
                 r_ref, bidx_ref, bestd_ref):
    m = pl.program_id(0)
    n = pl.program_id(1)
    dot2 = lax.dot_general(e_ref[...], x_ref[...], (((1,), (0,)), ((), ())),
                           preferred_element_type=jnp.float32)
    dist = (x2_ref[...] + dot2) + e2_ref[...]
    d3 = dist.reshape(_TN // 8, 8, _TM)
    cmin = jnp.min(d3, axis=0)
    iota0 = lax.broadcasted_iota(jnp.int32, (_TN // 8, 1, 1), 0
                                 ).astype(jnp.float32)
    carg = jnp.min(jnp.where(d3 == cmin[None], iota0, jnp.float32(3e38)),
                   axis=0)
    siota = lax.broadcasted_iota(jnp.int32, (8, _TM), 0).astype(jnp.float32)
    j8 = carg * 8.0 + siota
    wmin = jnp.min(cmin, axis=0, keepdims=True)
    wargf = jnp.min(jnp.where(cmin == wmin, j8, jnp.float32(3e38)),
                    axis=0, keepdims=True)
    warg = wargf.astype(jnp.int32) + n * _TN

    @pl.when(n == 0)
    def _():
        r_ref[...] = wmin.astype(jnp.bfloat16).astype(jnp.float32)
        bidx_ref[...] = warg
        bestd_ref[...] = wmin

    @pl.when(n > 0)
    def _():
        upd = wmin < r_ref[...]
        bidx_ref[...] = jnp.where(upd, warg, bidx_ref[...])
        bestd_ref[...] = jnp.where(upd, wmin, bestd_ref[...])
        r_ref[...] = jnp.where(
            upd, wmin.astype(jnp.bfloat16).astype(jnp.float32), r_ref[...])

    @pl.when(n == _NW - 1)
    def _():
        ind_ref[...] = bidx_ref[...].reshape(1, 1, _TM)

        @pl.when(m == 0)
        def _():
            loss_ref[...] = jnp.zeros_like(loss_ref)

        loss_ref[...] += jnp.sum(bestd_ref[...], keepdims=True)


def _assign(eT, xT, e2T, x2T):
    grid = (_NT // _TM, _NW)
    return pl.pallas_call(
        _argmin_body,
        grid=grid,
        in_specs=[
            pl.BlockSpec((_TN, _DIM), lambda m, n: (n, 0)),
            pl.BlockSpec((_DIM, _TM), lambda m, n: (0, m)),
            pl.BlockSpec((_TN, 1), lambda m, n: (n, 0)),
            pl.BlockSpec((1, _TM), lambda m, n: (0, m)),
        ],
        out_specs=[
            pl.BlockSpec((1, 1, _TM), lambda m, n: (m, 0, 0)),
            pl.BlockSpec((1, 1), lambda m, n: (0, 0)),
        ],
        out_shape=[
            jax.ShapeDtypeStruct((_NT // _TM, 1, _TM), jnp.int32),
            jax.ShapeDtypeStruct((1, 1), jnp.float32),
        ],
        scratch_shapes=[
            pltpu.VMEM((1, _TM), jnp.float32),
            pltpu.VMEM((1, _TM), jnp.int32),
            pltpu.VMEM((1, _TM), jnp.float32),
        ],
        name="vq_argmin",
        compiler_params=pltpu.CompilerParams(
            dimension_semantics=("arbitrary", "arbitrary")),
    )(eT, xT, e2T, x2T)


_BPW = _NT // 32


def _gather_body(table_hbm, idx_hbm, out_hbm, idx_v, rows_v, sem):
    wid = lax.axis_index("s") * 2 + lax.axis_index("c")
    base = wid * _BPW
    pltpu.sync_copy(idx_hbm.at[pl.ds(base, _BPW)], idx_v)
    pltpu.async_copy(table_hbm.at[idx_v], rows_v, sem).wait()
    pltpu.sync_copy(rows_v, out_hbm.at[pl.ds(base, _BPW)])


def _gather_sc(table, idx):
    mesh = plsc.VectorSubcoreMesh(core_axis_name="c", subcore_axis_name="s")
    k = functools.partial(
        pl.kernel, mesh=mesh,
        out_type=jax.ShapeDtypeStruct((_NT, _DIM), jnp.float32),
        scratch_types=[
            pltpu.VMEM((_BPW,), jnp.int32),
            pltpu.VMEM((_BPW, _DIM), jnp.float32),
            pltpu.SemaphoreType.DMA,
        ],
    )(_gather_body)
    return k(table, idx)


def kernel(input, embed):
    flatten = input.reshape(-1, _DIM)
    x2 = jnp.sum(flatten ** 2, axis=1, keepdims=True)
    e2 = jnp.sum(embed ** 2, axis=0, keepdims=True)
    eT = jnp.transpose(embed.astype(jnp.bfloat16) * jnp.bfloat16(-2))
    xT = jnp.transpose(flatten.astype(jnp.bfloat16))
    ind3d, loss = _assign(eT, xT, jnp.transpose(e2), jnp.transpose(x2))
    ind = ind3d.reshape(-1)
    quantize = _gather_sc(embed.T, ind)
    embed_ind = ind.reshape(input.shape[:-1])
    commit_loss = (loss[0, 0] / (_NT * _DIM)) * _COMMIT
    quantize_st = quantize.reshape(input.shape)
    return (quantize_st, embed_ind, commit_loss)

# --- scband reference (transcript-rebuilt; emitter-appended) ---
"""Pipeline reference for scband-vector-quantize-6605659701783 (READ-ONLY COPY).

The authoritative reference and input builder live on the scoring server;
editing this copy changes nothing except your own understanding.
"""

import jax, jax.numpy as jnp
import numpy as np

DIM = 256
N_EMBED = 8192
COMMITMENT = 1.0


def setup_inputs(seed: int = 0) -> dict:
    key = jax.random.key(seed)
    k1, k2 = jax.random.split(key)
    inp = jax.random.normal(k1, (16, 576, 256), dtype=jnp.float32)
    # buffer 'embed' of shape (dim, n_embed), initialized with randn as in the torch module
    embed = jax.random.normal(k2, (DIM, N_EMBED), dtype=jnp.float32)
    return {"input": inp, "embed": embed}


def reference(input, embed):
    # Faithful translation of VectorQuantize.forward in training mode
    # (eval mode raises NameError in the original code, so training path is the
    # only valid one). Buffer EMA updates do not affect the returned values,
    # since quantize is gathered from the pre-update embed.
    flatten = input.reshape(-1, DIM)
    dist = (jnp.sum(flatten ** 2, axis=1, keepdims=True)
            - 2.0 * (flatten @ embed)
            + jnp.sum(embed ** 2, axis=0, keepdims=True))
    embed_ind_flat = jnp.argmax(-dist, axis=1)
    embed_ind = embed_ind_flat.reshape(input.shape[:-1])
    # F.embedding(embed_ind, embed.T) -> gather rows of embed.T
    quantize = jnp.take(embed.T, embed_ind, axis=0)
    commit_loss = jnp.mean((jax.lax.stop_gradient(quantize) - input) ** 2) * COMMITMENT
    # straight-through estimator
    quantize_st = input + jax.lax.stop_gradient(quantize - input)
    return (quantize_st, embed_ind, commit_loss)

if __name__ == "__main__":
    import jax
    _d = setup_inputs()
    print(jax.jit(kernel)(*tuple(_d.values())))

</pallas_src>

<mosaic_0001>
#map = affine_map<(d0, d1) -> (0, 0)>
#map1 = affine_map<(d0, d1) -> (0)>
module attributes {stable_mosaic.version = 14 : i64} {
  func.func @_gather_body(%arg0: i32, %arg1: i32, %arg2: memref<8192x256xf32, #tpu.memory_space<hbm>>, %arg3: memref<9216xi32, #tpu.memory_space<hbm>>, %arg4: memref<9216x256xf32, #tpu.memory_space<hbm>>, %arg5: memref<288xi32, #tpu.memory_space<vmem>>, %arg6: memref<288x256xf32, #tpu.memory_space<vmem>>, %arg7: memref<!tpu.dma_semaphore, #tpu.memory_space<semaphore_mem>>) attributes {dimension_semantics = [#tpu.dimension_semantics<core_parallel>, #tpu.dimension_semantics<subcore_parallel>], iteration_bounds = array<i64: 2, 16>, scalar_prefetch = 0 : i64, scratch_operands = 3 : i64, tpu.core_type = #tpu.core_type<sc_vector_subcore>, window_params = [{transform_indices = #map}, {transform_indices = #map1}, {transform_indices = #map}]} {
    %mul3A = arith.constant 2 : i32
    %mul3A_0 = arith.muli %arg1, %mul3A : i32
    %add3A = arith.addi %mul3A_0, %arg0 : i32
    %mul3A_1 = arith.constant 288 : i32
    %mul3A_2 = arith.muli %add3A, %mul3A_1 : i32
    "tpu.region"() ({
      %run_scoped3A = tpu.sem_alloc : memref<!tpu.dma_semaphore, #tpu.memory_space<semaphore_mem>>
      %dma_start3A_7 = tpu.memref_slice %arg3[%mul3A_2] : memref<9216xi32, #tpu.memory_space<hbm>> -> memref<288xi32, #tpu.memory_space<hbm>>
      %dma_start3A_8 = tpu.memref_slice %arg3[%mul3A_2] : memref<9216xi32, #tpu.memory_space<hbm>> -> memref<288xi32, #tpu.memory_space<hbm>>
      tpu.enqueue_dma source(%dma_start3A_8 : memref<288xi32, #tpu.memory_space<hbm>>) target(%arg5 : memref<288xi32, #tpu.memory_space<vmem>>) target_semaphore(%run_scoped3A : memref<!tpu.dma_semaphore, #tpu.memory_space<semaphore_mem>>)
      %dma_wait3A_9 = tpu.memref_slice %arg3[%mul3A_2] : memref<9216xi32, #tpu.memory_space<hbm>> -> memref<288xi32, #tpu.memory_space<hbm>>
      %dma_wait3A_10 = tpu.memref_slice %arg3[%mul3A_2] : memref<9216xi32, #tpu.memory_space<hbm>> -> memref<288xi32, #tpu.memory_space<hbm>>
      tpu.wait_dma2 semaphore(%run_scoped3A : memref<!tpu.dma_semaphore, #tpu.memory_space<semaphore_mem>>) src(%dma_wait3A_10 : memref<288xi32, #tpu.memory_space<hbm>>) dst(%arg5 : memref<288xi32, #tpu.memory_space<vmem>>)
      tpu.yield
    }) : () -> ()
    %dma_start3A = arith.constant 0 : i32
    %dma_start3A_3 = arith.constant 0 : i32
    %dma_start3A_4 = tpu.memref_slice %arg2[%dma_start3A, %dma_start3A_3] : memref<8192x256xf32, #tpu.memory_space<hbm>> -> memref<8192x256xf32, #tpu.memory_space<hbm>>
    tpu.enqueue_indirect_dma source(%dma_start3A_4 : memref<8192x256xf32, #tpu.memory_space<hbm>>) target(%arg6 : memref<288x256xf32, #tpu.memory_space<vmem>>) offsets(%arg5 : memref<288xi32, #tpu.memory_space<vmem>>) semaphore(%arg7 : memref<!tpu.dma_semaphore, #tpu.memory_space<semaphore_mem>>)
    %dma_wait3A = arith.constant 0 : i32
    %dma_wait3A_5 = arith.constant 0 : i32
    %dma_wait3A_6 = tpu.memref_slice %arg2[%dma_wait3A, %dma_wait3A_5] : memref<8192x256xf32, #tpu.memory_space<hbm>> -> memref<8192x256xf32, #tpu.memory_space<hbm>>
    tpu.wait_indirect_dma semaphore(%arg7 : memref<!tpu.dma_semaphore, #tpu.memory_space<semaphore_mem>>) src(%dma_wait3A_6 : memref<8192x256xf32, #tpu.memory_space<hbm>>) dst(%arg6 : memref<288x256xf32, #tpu.memory_space<vmem>>)
    "tpu.region"() ({
      %run_scoped3A = tpu.sem_alloc : memref<!tpu.dma_semaphore, #tpu.memory_space<semaphore_mem>>
      %dma_start3A_7 = arith.constant 0 : i32
      %dma_start3A_8 = tpu.memref_slice %arg4[%mul3A_2, %dma_start3A_7] : memref<9216x256xf32, #tpu.memory_space<hbm>> -> memref<288x256xf32, #tpu.memory_space<hbm>>
      %dma_start3A_9 = arith.constant 0 : i32
      %dma_start3A_10 = tpu.memref_slice %arg4[%mul3A_2, %dma_start3A_9] : memref<9216x256xf32, #tpu.memory_space<hbm>> -> memref<288x256xf32, #tpu.memory_space<hbm>>
      tpu.enqueue_dma source(%arg6 : memref<288x256xf32, #tpu.memory_space<vmem>>) target(%dma_start3A_10 : memref<288x256xf32, #tpu.memory_space<hbm>>) target_semaphore(%run_scoped3A : memref<!tpu.dma_semaphore, #tpu.memory_space<semaphore_mem>>)
      %dma_wait3A_11 = arith.constant 0 : i32
      %dma_wait3A_12 = tpu.memref_slice %arg4[%mul3A_2, %dma_wait3A_11] : memref<9216x256xf32, #tpu.memory_space<hbm>> -> memref<288x256xf32, #tpu.memory_space<hbm>>
      %dma_wait3A_13 = arith.constant 0 : i32
      %dma_wait3A_14 = tpu.memref_slice %arg4[%mul3A_2, %dma_wait3A_13] : memref<9216x256xf32, #tpu.memory_space<hbm>> -> memref<288x256xf32, #tpu.memory_space<hbm>>
      tpu.wait_dma2 semaphore(%run_scoped3A : memref<!tpu.dma_semaphore, #tpu.memory_space<semaphore_mem>>) src(%arg6 : memref<288x256xf32, #tpu.memory_space<vmem>>) dst(%dma_wait3A_14 : memref<288x256xf32, #tpu.memory_space<hbm>>)
      tpu.yield
    }) : () -> ()
    return
  }
}

module attributes {stable_mosaic.version = 14 : i64} {
  func.func @vq_argmin(%arg0: i32, %arg1: i32, %arg2: memref<2048x256xbf16, #tpu.memory_space<vmem>>, %arg3: memref<256x512xbf16, #tpu.memory_space<vmem>>, %arg4: memref<2048x1xf32, #tpu.memory_space<vmem>>, %arg5: memref<1x512xf32, #tpu.memory_space<vmem>>, %arg6: memref<1x1x512xi32, #tpu.memory_space<vmem>>, %arg7: memref<1x1xf32, #tpu.memory_space<vmem>>, %arg8: memref<1x512xf32, #tpu.memory_space<vmem>>, %arg9: memref<1x512xi32, #tpu.memory_space<vmem>>, %arg10: memref<1x512xf32, #tpu.memory_space<vmem>>) attributes {dimension_semantics = [#tpu.dimension_semantics<arbitrary>, #tpu.dimension_semantics<arbitrary>], iteration_bounds = array<i64: 18, 4>, scalar_prefetch = 0 : i64, scratch_operands = 3 : i64, tpu.core_type = #tpu.core_type<tc>, window_params = [{transform_indices = @transform_0, window_bounds = array<i64: 2048, 256>}, {transform_indices = @transform_1, window_bounds = array<i64: 256, 512>}, {transform_indices = @transform_2, window_bounds = array<i64: 2048, 1>}, {transform_indices = @transform_3, window_bounds = array<i64: 1, 512>}, {transform_indices = @transform_4, window_bounds = array<i64: 1, 1, 512>}, {pipeline_mode = #tpu.pipeline_mode<synchronous>, transform_indices = @transform_5, window_bounds = array<i64: 1, 1>}]} {
    %get3A = arith.constant 0 : index
    %get3A_0 = arith.constant 0 : index
    %get3A_1 = vector.load %arg2[%get3A, %get3A_0] : memref<2048x256xbf16, #tpu.memory_space<vmem>>, vector<2048x256xbf16>
    %get3A_2 = arith.constant 0 : index
    %get3A_3 = arith.constant 0 : index
    %get3A_4 = vector.load %arg3[%get3A_2, %get3A_3] : memref<256x512xbf16, #tpu.memory_space<vmem>>, vector<256x512xbf16>
    %dot_general3A = arith.constant dense<0.000000e+00> : vector<2048x512xf32>
    %dot_general3A_5 = tpu.matmul %get3A_1, %get3A_4, %dot_general3A {dimension_numbers = #tpu.dot_dimension_numbers<[1], [0], [0], [1], [0, 0, 1, 1], [], []>, transpose_lhs_hint = false} : vector<2048x256xbf16>, vector<256x512xbf16>, vector<2048x512xf32> -> vector<2048x512xf32>
    %get3A_6 = arith.constant 0 : index
    %get3A_7 = arith.constant 0 : index
    %get3A_8 = vector.load %arg5[%get3A_6, %get3A_7] : memref<1x512xf32, #tpu.memory_space<vmem>>, vector<1x512xf32>
    %add3A = vector.broadcast %get3A_8 : vector<1x512xf32> to vector<2048x512xf32>
    %add3A_9 = arith.addf %add3A, %dot_general3A_5 : vector<2048x512xf32>
    %get3A_10 = arith.constant 0 : index
    %get3A_11 = arith.constant 0 : index
    %get3A_12 = vector.load %arg4[%get3A_10, %get3A_11] : memref<2048x1xf32, #tpu.memory_space<vmem>>, vector<2048x1xf32>
    %add3A_13 = vector.broadcast %get3A_12 : vector<2048x1xf32> to vector<2048x512xf32>
    %add3A_14 = arith.addf %add3A_9, %add3A_13 : vector<2048x512xf32>
    %reshape3A = vector.shape_cast %add3A_14 : vector<2048x512xf32> to vector<256x8x512xf32>
    %reduce_min3A = arith.constant dense<0x7F800000> : vector<8x512xf32>
    %reduce_min3A_15 = vector.multi_reduction <minimumf>, %reshape3A, %reduce_min3A [0] : vector<256x8x512xf32> to vector<8x512xf32>
    %iota3A = tpu.iota {dimensions = array<i32: 0>} : vector<256x1x1xi32>
    %convert_element_type3A = arith.sitofp %iota3A : vector<256x1x1xi32> to vector<256x1x1xf32>
    %broadcast_in_dim3A = vector.shape_cast %reduce_min3A_15 : vector<8x512xf32> to vector<1x8x512xf32>
    %eq3A = vector.broadcast %broadcast_in_dim3A : vector<1x8x512xf32> to vector<256x8x512xf32>
    %eq3A_16 = arith.cmpf oeq, %reshape3A, %eq3A : vector<256x8x512xf32>
    %jit3A = arith.constant 3.000000e+38 : f32
    %broadcast_in_dim3A_17 = vector.shape_cast %convert_element_type3A : vector<256x1x1xf32> to vector<256x1x1xf32>
    %broadcast_in_dim3A_18 = vector.broadcast %broadcast_in_dim3A_17 : vector<256x1x1xf32> to vector<256x8x512xf32>
    %broadcast_in_dim3A_19 = vector.broadcast %jit3A : f32 to vector<256x8x512xf32>
    %select_n3A = arith.select %eq3A_16, %broadcast_in_dim3A_18, %broadcast_in_dim3A_19 : vector<256x8x512xi1>, vector<256x8x512xf32>
    %reduce_min3A_20 = arith.constant dense<0x7F800000> : vector<8x512xf32>
    %reduce_min3A_21 = vector.multi_reduction <minimumf>, %select_n3A, %reduce_min3A_20 [0] : vector<256x8x512xf32> to vector<8x512xf32>
    %iota3A_22 = tpu.iota {dimensions = array<i32: 0>} : vector<8x512xi32>
    %convert_element_type3A_23 = arith.sitofp %iota3A_22 : vector<8x512xi32> to vector<8x512xf32>
    %mul3A = arith.constant 8.000000e+00 : f32
    %mul3A_24 = vector.broadcast %mul3A : f32 to vector<8x512xf32>
    %mul3A_25 = arith.mulf %reduce_min3A_21, %mul3A_24 : vector<8x512xf32>
    %add3A_26 = arith.addf %mul3A_25, %convert_element_type3A_23 : vector<8x512xf32>
    %reduce_min3A_27 = arith.constant dense<0x7F800000> : vector<512xf32>
    %reduce_min3A_28 = vector.multi_reduction <minimumf>, %reduce_min3A_15, %reduce_min3A_27 [0] : vector<8x512xf32> to vector<512xf32>
    %broadcast_in_dim3A_29 = vector.shape_cast %reduce_min3A_28 : vector<512xf32> to vector<1x512xf32>
    %eq3A_30 = vector.broadcast %broadcast_in_dim3A_29 : vector<1x512xf32> to vector<8x512xf32>
    %eq3A_31 = arith.cmpf oeq, %reduce_min3A_15, %eq3A_30 : vector<8x512xf32>
    %jit3A_32 = arith.constant 3.000000e+38 : f32
    %broadcast_in_dim3A_33 = vector.broadcast %jit3A_32 : f32 to vector<8x512xf32>
    %select_n3A_34 = arith.select %eq3A_31, %add3A_26, %broadcast_in_dim3A_33 : vector<8x512xi1>, vector<8x512xf32>
    %reduce_min3A_35 = arith.constant dense<0x7F800000> : vector<512xf32>
    %reduce_min3A_36 = vector.multi_reduction <minimumf>, %select_n3A_34, %reduce_min3A_35 [0] : vector<8x512xf32> to vector<512xf32>
    %broadcast_in_dim3A_37 = vector.shape_cast %reduce_min3A_36 : vector<512xf32> to vector<1x512xf32>
    %convert_element_type3A_38 = arith.fptosi %broadcast_in_dim3A_37 : vector<1x512xf32> to vector<1x512xi32>
    %mul3A_39 = arith.constant 2048 : i32
    %mul3A_40 = arith.muli %arg1, %mul3A_39 : i32
    %add3A_41 = vector.broadcast %mul3A_40 : i32 to vector<1x512xi32>
    %add3A_42 = arith.addi %convert_element_type3A_38, %add3A_41 : vector<1x512xi32>
    %eq3A_43 = arith.constant 0 : i32
    %eq3A_44 = arith.cmpi eq, %arg1, %eq3A_43 : i32
    %convert_element_type3A_45 = arith.extui %eq3A_44 : i1 to i32
    %cond3A = arith.constant 0 : i32
    %cond3A_46 = arith.cmpi ne, %convert_element_type3A_45, %cond3A : i32
    scf.if %cond3A_46 {
      %convert_element_type3A_56 = arith.truncf %broadcast_in_dim3A_29 : vector<1x512xf32> to vector<1x512xbf16>
      %convert_element_type3A_57 = arith.extf %convert_element_type3A_56 : vector<1x512xbf16> to vector<1x512xf32>
      %swap3A = arith.constant 0 : index
      %swap3A_58 = arith.constant 0 : index
      %swap3A_59 = vector.load %arg8[%swap3A, %swap3A_58] : memref<1x512xf32, #tpu.memory_space<vmem>>, vector<1x512xf32>
      tpu.vector_store %arg8[%swap3A, %swap3A_58], %convert_element_type3A_57 {strides = array<i32>} : memref<1x512xf32, #tpu.memory_space<vmem>>, vector<1x512xf32>,
      %swap3A_60 = arith.constant 0 : index
      %swap3A_61 = arith.constant 0 : index
      %swap3A_62 = vector.load %arg9[%swap3A_60, %swap3A_61] : memref<1x512xi32, #tpu.memory_space<vmem>>, vector<1x512xi32>
      tpu.vector_store %arg9[%swap3A_60, %swap3A_61], %add3A_42 {strides = array<i32>} : memref<1x512xi32, #tpu.memory_space<vmem>>, vector<1x512xi32>,
      %swap3A_63 = arith.constant 0 : index
      %swap3A_64 = arith.constant 0 : index
      %swap3A_65 = vector.load %arg10[%swap3A_63, %swap3A_64] : memref<1x512xf32, #tpu.memory_space<vmem>>, vector<1x512xf32>
      tpu.vector_store %arg10[%swap3A_63, %swap3A_64], %broadcast_in_dim3A_29 {strides = array<i32>} : memref<1x512xf32, #tpu.memory_space<vmem>>, vector<1x512xf32>,
    } else {
    }
    %gt3A = arith.constant 0 : i32
    %gt3A_47 = arith.cmpi sgt, %arg1, %gt3A : i32
    %convert_element_type3A_48 = arith.extui %gt3A_47 : i1 to i32
    %cond3A_49 = arith.constant 0 : i32
    %cond3A_50 = arith.cmpi ne, %convert_element_type3A_48, %cond3A_49 : i32
    scf.if %cond3A_50 {
      %get3A_56 = arith.constant 0 : index
      %get3A_57 = arith.constant 0 : index
      %get3A_58 = vector.load %arg8[%get3A_56, %get3A_57] : memref<1x512xf32, #tpu.memory_space<vmem>>, vector<1x512xf32>
      %lt3A = arith.cmpf olt, %broadcast_in_dim3A_29, %get3A_58 : vector<1x512xf32>
      %get3A_59 = arith.constant 0 : index
      %get3A_60 = arith.constant 0 : index
      %get3A_61 = vector.load %arg9[%get3A_59, %get3A_60] : memref<1x512xi32, #tpu.memory_space<vmem>>, vector<1x512xi32>
      %select_n3A_62 = arith.select %lt3A, %add3A_42, %get3A_61 : vector<1x512xi1>, vector<1x512xi32>
      %swap3A = arith.constant 0 : index
      %swap3A_63 = arith.constant 0 : index
      %swap3A_64 = vector.load %arg9[%swap3A, %swap3A_63] : memref<1x512xi32, #tpu.memory_space<vmem>>, vector<1x512xi32>
      tpu.vector_store %arg9[%swap3A, %swap3A_63], %select_n3A_62 {strides = array<i32>} : memref<1x512xi32, #tpu.memory_space<vmem>>, vector<1x512xi32>,
      %get3A_65 = arith.constant 0 : index
      %get3A_66 = arith.constant 0 : index
      %get3A_67 = vector.load %arg10[%get3A_65, %get3A_66] : memref<1x512xf32, #tpu.memory_space<vmem>>, vector<1x512xf32>
      %select_n3A_68 = arith.select %lt3A, %broadcast_in_dim3A_29, %get3A_67 : vector<1x512xi1>, vector<1x512xf32>
      %swap3A_69 = arith.constant 0 : index
      %swap3A_70 = arith.constant 0 : index
      %swap3A_71 = vector.load %arg10[%swap3A_69, %swap3A_70] : memref<1x512xf32, #tpu.memory_space<vmem>>, vector<1x512xf32>
      tpu.vector_store %arg10[%swap3A_69, %swap3A_70], %select_n3A_68 {strides = array<i32>} : memref<1x512xf32, #tpu.memory_space<vmem>>, vector<1x512xf32>,
      %convert_element_type3A_72 = arith.truncf %broadcast_in_dim3A_29 : vector<1x512xf32> to vector<1x512xbf16>
      %convert_element_type3A_73 = arith.extf %convert_element_type3A_72 : vector<1x512xbf16> to vector<1x512xf32>
      %get3A_74 = arith.constant 0 : index
      %get3A_75 = arith.constant 0 : index
      %get3A_76 = vector.load %arg8[%get3A_74, %get3A_75] : memref<1x512xf32, #tpu.memory_space<vmem>>, vector<1x512xf32>
      %select_n3A_77 = arith.select %lt3A, %convert_element_type3A_73, %get3A_76 : vector<1x512xi1>, vector<1x512xf32>
      %swap3A_78 = arith.constant 0 : index
      %swap3A_79 = arith.constant 0 : index
      %swap3A_80 = vector.load %arg8[%swap3A_78, %swap3A_79] : memref<1x512xf32, #tpu.memory_space<vmem>>, vector<1x512xf32>
      tpu.vector_store %arg8[%swap3A_78, %swap3A_79], %select_n3A_77 {strides = array<i32>} : memref<1x512xf32, #tpu.memory_space<vmem>>, vector<1x512xf32>,
    } else {
    }
    %eq3A_51 = arith.constant 3 : i32
    %eq3A_52 = arith.cmpi eq, %arg1, %eq3A_51 : i32
    %convert_element_type3A_53 = arith.extui %eq3A_52 : i1 to i32
    %cond3A_54 = arith.constant 0 : i32
    %cond3A_55 = arith.cmpi ne, %convert_element_type3A_53, %cond3A_54 : i32
    scf.if %cond3A_55 {
      %get3A_56 = arith.constant 0 : index
      %get3A_57 = arith.constant 0 : index
      %get3A_58 = vector.load %arg9[%get3A_56, %get3A_57] : memref<1x512xi32, #tpu.memory_space<vmem>>, vector<1x512xi32>
      %reshape3A_59 = vector.shape_cast %get3A_58 : vector<1x512xi32> to vector<1x1x512xi32>
      %swap3A = arith.constant 0 : index
      %swap3A_60 = arith.constant 0 : index
      %swap3A_61 = arith.constant 0 : index
      %swap3A_62 = vector.load %arg6[%swap3A, %swap3A_60, %swap3A_61] : memref<1x1x512xi32, #tpu.memory_space<vmem>>, vector<1x1x512xi32>
      tpu.vector_store %arg6[%swap3A, %swap3A_60, %swap3A_61], %reshape3A_59 {strides = array<i32>} : memref<1x1x512xi32, #tpu.memory_space<vmem>>, vector<1x1x512xi32>,
      %eq3A_63 = arith.constant 0 : i32
      %eq3A_64 = arith.cmpi eq, %arg0, %eq3A_63 : i32
      %convert_element_type3A_65 = arith.extui %eq3A_64 : i1 to i32
      %cond3A_66 = arith.constant 0 : i32
      %cond3A_67 = arith.cmpi ne, %convert_element_type3A_65, %cond3A_66 : i32
      scf.if %cond3A_67 {
        %broadcast_in_dim3A_83 = arith.constant 0.000000e+00 : f32
        %broadcast_in_dim3A_84 = vector.broadcast %broadcast_in_dim3A_83 : f32 to vector<1x1xf32>
        %swap3A_85 = arith.constant 0 : index
        %swap3A_86 = arith.constant 0 : index
        %swap3A_87 = vector.load %arg7[%swap3A_85, %swap3A_86] : memref<1x1xf32, #tpu.memory_space<vmem>>, vector<1x1xf32>
        tpu.vector_store %arg7[%swap3A_85, %swap3A_86], %broadcast_in_dim3A_84 {strides = array<i32>} : memref<1x1xf32, #tpu.memory_space<vmem>>, vector<1x1xf32>,
      } else {
      }
      %get3A_68 = arith.constant 0 : index
      %get3A_69 = arith.constant 0 : index
      %get3A_70 = vector.load %arg7[%get3A_68, %get3A_69] : memref<1x1xf32, #tpu.memory_space<vmem>>, vector<1x1xf32>
      %get3A_71 = arith.constant 0 : index
      %get3A_72 = arith.constant 0 : index
      %get3A_73 = vector.load %arg10[%get3A_71, %get3A_72] : memref<1x512xf32, #tpu.memory_space<vmem>>, vector<1x512xf32>
      %reduce_sum3A = vector.shape_cast %get3A_73 : vector<1x512xf32> to vector<1x1x512xf32>
      %reduce_sum3A_74 = arith.constant dense<0.000000e+00> : vector<1xf32>
      %reduce_sum3A_75 = vector.multi_reduction <add>, %reduce_sum3A, %reduce_sum3A_74 [1, 2] : vector<1x1x512xf32> to vector<1xf32>
      %reduce_sum3A_76 = vector.shape_cast %reduce_sum3A_75 : vector<1xf32> to vector<1x1x1xf32>
      %reduce_sum3A_77 = vector.extract %reduce_sum3A_76[0, 0, 0] : f32 from vector<1x1x1xf32>
      %broadcast_in_dim3A_78 = vector.broadcast %reduce_sum3A_77 : f32 to vector<1x1xf32>
      %add3A_79 = arith.addf %get3A_70, %broadcast_in_dim3A_78 : vector<1x1xf32>
      %swap3A_80 = arith.constant 0 : index
      %swap3A_81 = arith.constant 0 : index
      %swap3A_82 = vector.load %arg7[%swap3A_80, %swap3A_81] : memref<1x1xf32, #tpu.memory_space<vmem>>, vector<1x1xf32>
      tpu.vector_store %arg7[%swap3A_80, %swap3A_81], %add3A_79 {strides = array<i32>} : memref<1x1xf32, #tpu.memory_space<vmem>>, vector<1x1xf32>,
    } else {
    }
    return
  }
  func.func @transform_0(%arg0: i32, %arg1: i32) -> (i32, i32) {
    %c0_i32 = arith.constant 0 : i32
    %c0_i32_0 = arith.constant 0 : i32
    return %arg1, %c0_i32 : i32, i32
  }
  func.func @transform_1(%arg0: i32, %arg1: i32) -> (i32, i32) {
    %c0_i32 = arith.constant 0 : i32
    %c0_i32_0 = arith.constant 0 : i32
    return %c0_i32, %arg0 : i32, i32
  }
  func.func @transform_2(%arg0: i32, %arg1: i32) -> (i32, i32) {
    %c0_i32 = arith.constant 0 : i32
    %c0_i32_0 = arith.constant 0 : i32
    return %arg1, %c0_i32 : i32, i32
  }
  func.func @transform_3(%arg0: i32, %arg1: i32) -> (i32, i32) {
    %c0_i32 = arith.constant 0 : i32
    %c0_i32_0 = arith.constant 0 : i32
    return %c0_i32, %arg0 : i32, i32
  }
  func.func @transform_4(%arg0: i32, %arg1: i32) -> (i32, i32, i32) {
    %c0_i32 = arith.constant 0 : i32
    %c0_i32_0 = arith.constant 0 : i32
    %c0_i32_1 = arith.constant 0 : i32
    return %arg0, %c0_i32, %c0_i32_0 : i32, i32, i32
  }
  func.func @transform_5(%arg0: i32, %arg1: i32) -> (i32, i32) {
    %c0_i32 = arith.constant 0 : i32
    %c0_i32_0 = arith.constant 0 : i32
    %c0_i32_1 = arith.constant 0 : i32
    return %c0_i32, %c0_i32_0 : i32, i32
  }
}

</mosaic_0001>

<sc_bundles>
// kernel: kernel.3.cloned.1.call-start
scs
__scs_entry_jumppad:
0x0: {  	(pc) =	sbr.rel $0x88, $3  }
0x1: {  	(tag) =	ssettag $0x0;
	lr =	simm.s32 $0x1  }
0x2: {  	[smem:$0x3F9F] =	sst lr;
	_ =	strace $0xD0000000  }
0x3: {  	_ = 	snop  }
0x4: {  	_ = 	snop  }
0x5: {  	_ = 	snop  }
0x6: {  	_ = 	snop  }
0x7: {  	_ = 	snop  }
__scs_overlays_trampoline_lowered:
0x8: {  	[smem:$0x3FAE] =	sst s0  }
0x9: {  	[smem:$0x3FAF] =	sst s1  }
0xa: {  	[smem:$0x3FB0] =	sst s2  }
0xb: {  	[smem:$0x3FB1] =	sst s3  }
0xc: {  	[smem:$0x3FB2] =	sst s4  }
0xd: {  	[smem:$0x3FB3] =	sst s5  }
0xe: {  	[smem:$0x3FB4] =	sst s6  }
0xf: {  	[smem:$0x3FB5] =	sst s7  }
0x10: {  	[smem:$0x3FB6] =	sst s8  }
0x11: {  	[smem:$0x3FB7] =	sst s9;
	s0 =	simm.s32 @!p0 $0x0  }
0x12: {  	s1 =	sld [smem:$0x3F9D];
	s0 =	simm.s32 @p0 $0x1  }
0x13: {  	[smem:$0x3FB8] =	sst s0;
	s0 =	simm.s32 @!p1 $0x0  }
0x14: {  	s2 =	sld [smem:$0x3F9C];
	s0 =	simm.s32 @p1 $0x1  }
0x15: {  	[smem:$0x3FB9] =	sst s0;
	s0 =	simm.s32 @!p2 $0x0  }
0x16: {  	s3 =	sld [smem:$0x3FDB];
	s0 =	simm.s32 @p2 $0x1  }
0x17: {  	s4 =	simm.s32 $0x1BF5;
	[smem:$0x3FBB] =	sst s0  }
0x18: {  	s0 =	sld [smem:$0x3F9E];
	_ =	swait.ge [sflag:s4], $0x0  }
0x19: {  	s7 =	sld [smem:$0x3F9F]  }
0x1a: {  	s8 =	sadd.s32 $0xFFFFE003, lr  }
0x1b: {  	s9 =	sadd.s32 $0xFFFFFEF7, lr;
	s5 =	simm.s32 $0xFFFFFFFF;
	p2 =	slt.u32 s8, $0xFFFFF086  }
0x1c: {  	p1 =	slt.u32 s9, $0xF7A;
	s5 =	simm.s32 @!p2 $0x0  }
0x1d: {  	s5 =	simm.s32 @p1 $0x1;
	p0 =	seq.s32 s7, s2  }
0x1e: {  	s7 =	smul.u32 @!p0 $0xF7A, s2;
	p2 =	seq.s32 @!p0 s5, $0x0  }
0x1f: {  	s9 =	smul.u32 $0xF7A, s1;
	s8 =	simm.s32 @!p0 $0x1BF5;
	p2 =	por !p2, p0  }
0x20: {  	[sflag:s8] =	ssyncset.s32 @!p0 $0xFFFFF086;
	s6 =	sadd.s32 @!p0 s3, s7;
	s7 =	simm.s32 @!p0 $0x108  }
0x21: {  	s3 =	sadd.s32 s3, s9;
	s6 =	sadd.s32 @!p0 $0x88, s6;
	s7 =	simm.s32 @p2 $0x1082  }
0x22: {  	[simem:s7], [sflag:s8] =	dma.local @!p0 [hbm:s6], $0xF7A  }
0x23: {  	s9 =	sor.u32 $0xD0000000, s2;
	s6 =	simm.s32 $0x108;
	_ =	swait.ge @!p0 [sflag:s8], $0x0  }
0x24: {  	s3 =	sadd.s32 $0x88, s3;
	s6 =	simm.s32 @!p1 $0x1082;
	[sflag:s4] =	ssyncset.s32 $0xFFFFF086  }
0x25: {  	[simem:s6], [sflag:s4] =	dma.local [hbm:s3], $0xF7A  }
0x26: {  	[smem:$0x3F9F] =	sst s1;
	(tag) =	ssettag s2;
	_ =	strace s9  }
0x27: {  	s1 =	sld [smem:$0x3FAF]  }
0x28: {  	s2 =	sld [smem:$0x3FB0]  }
0x29: {  	s4 =	sld [smem:$0x3FB2]  }
0x2a: {  	p0 =	seq.s32 s5, $0x0;
	s5 =	sld [smem:$0x3FB3]  }
0x2b: {  	s6 =	sld [smem:$0x3FB4]  }
0x2c: {  	s7 =	sld [smem:$0x3FB5]  }
0x2d: {  	s3 =	simm.s32 $0x108;
	s8 =	sld [smem:$0x3FB6]  }
0x2e: {  	s3 =	simm.s32 @!p0 $0x1082;
	s9 =	sld [smem:$0x3FB7]  }
0x2f: {  	lr =	sadd.s32 s0, s3;
	s0 =	sld [smem:$0x3FAE]  }
0x30: {  	s3 =	sld [smem:$0x3FB1]  }
0x31: {  	[smem:$0x3FBA] =	sst s10  }
0x32: {  	s10 =	sld [smem:$0x3FB8];
	_ =	sdelay $0x3  }
0x33: {  	p0 =	seq.s32 s10, $0x1;
	s10 =	sld [smem:$0x3FBA];
	_ =	sdelay $0x3  }
0x34: {  	[smem:$0x3FBA] =	sst s10  }
0x35: {  	s10 =	sld [smem:$0x3FB9];
	_ =	sdelay $0x3  }
0x36: {  	p1 =	seq.s32 s10, $0x1;
	s10 =	sld [smem:$0x3FBA];
	_ =	sdelay $0x3  }
0x37: {  	[smem:$0x3FBA] =	sst s10  }
0x38: {  	s10 =	sld [smem:$0x3FBB]  }
0x39: {  	_ = 	snop;
	(pc) =	sbr.ind lr, $3  }
0x3a: {  	_ = 	snop  }
0x3b: {  	_ = 	snop  }
0x3c: {  	p2 =	seq.s32 s10, $0x1;
	s10 =	sld [smem:$0x3FBA]  }
0x3d: {  	_ =	shalt  }
0x3e: {  	_ =	shalt  }
0x3f: {  	_ =	shalt  }
0x40: {  	_ =	shalt  }
0x41: {  	_ =	shalt  }
0x42: {  	_ =	shalt  }
0x43: {  	_ =	shalt  }
0x44: {  	_ =	shalt  }
0x45: {  	_ =	shalt  }
0x46: {  	_ =	shalt  }
0x47: {  	_ =	shalt  }
0x48: {  	_ =	shalt  }
0x49: {  	_ =	shalt  }
0x4a: {  	_ =	shalt  }
0x4b: {  	_ =	shalt  }
0x4c: {  	_ =	shalt  }
0x4d: {  	_ =	shalt  }
0x4e: {  	_ =	shalt  }
0x4f: {  	_ =	shalt  }
0x50: {  	_ =	shalt  }
0x51: {  	_ =	shalt  }
0x52: {  	_ =	shalt  }
0x53: {  	_ =	shalt  }
0x54: {  	_ =	shalt  }
0x55: {  	_ =	shalt  }
0x56: {  	_ =	shalt  }
0x57: {  	_ =	shalt  }
0x58: {  	_ =	shalt  }
0x59: {  	_ =	shalt  }
0x5a: {  	_ =	shalt  }
0x5b: {  	_ =	shalt  }
0x5c: {  	_ =	shalt  }
0x5d: {  	_ =	shalt  }
0x5e: {  	_ =	shalt  }
0x5f: {  	_ =	shalt  }
0x60: {  	_ =	shalt  }
0x61: {  	_ =	shalt  }
0x62: {  	_ =	shalt  }
0x63: {  	_ =	shalt  }
0x64: {  	_ =	shalt  }
0x65: {  	_ =	shalt  }
0x66: {  	_ =	shalt  }
0x67: {  	_ =	shalt  }
0x68: {  	_ =	shalt  }
0x69: {  	_ =	shalt  }
0x6a: {  	_ =	shalt  }
0x6b: {  	_ =	shalt  }
0x6c: {  	_ =	shalt  }
0x6d: {  	_ =	shalt  }
0x6e: {  	_ =	shalt  }
0x6f: {  	_ =	shalt  }
0x70: {  	_ =	shalt  }
0x71: {  	_ =	shalt  }
0x72: {  	_ =	shalt  }
0x73: {  	_ =	shalt  }
0x74: {  	_ =	shalt  }
0x75: {  	_ =	shalt  }
0x76: {  	_ =	shalt  }
0x77: {  	_ =	shalt  }
0x78: {  	_ =	shalt  }
0x79: {  	_ =	shalt  }
0x7a: {  	_ =	shalt  }
0x7b: {  	_ =	shalt  }
0x7c: {  	_ =	shalt  }
0x7d: {  	_ =	shalt  }
0x7e: {  	_ =	shalt  }
0x7f: {  	_ =	shalt  }
0x80: {  	_ =	shalt  }
0x81: {  	_ =	shalt  }
0x82: {  	_ =	shalt  }
0x83: {  	_ =	shalt  }
0x84: {  	_ =	shalt  }
0x85: {  	_ =	shalt  }
0x86: {  	_ =	shalt  }
0x87: {  	_ =	shalt  }
.Lfunc_end0:
.L_simem_size_0:
called_computation_lowered:
.L_overlay_start_0:
0x88: {  	s2 =	sld [smem:$0x3FD9]  }
0x89: {  	s3 =	sld [smem:$0x3FFE];
	_ =	sdelay $0x1  }
0x8a: {  	s1 =	srdreg.scid  }
0x8b: {  	s0 =	sand.u32 $0x1, s1  }
0x8c: {  	s14 =	sshll.u32 s0, $0xA;
	s2 =	sadd.s32 s3, s2  }
0x8d: {  	s2 =	sadd.s32 s2, s14  }
0x8e: {  	[smem:$0x3FC6] =	sst s2  }
0x8f: {  	_ = 	snop  }
0x90: {  	s2 =	sld [smem:$0x3FD0];
	_ =	sdelay $0x2  }
0x91: {  	s15 =	simm.s32 $0xA;
	s4 =	simm.s32 $0x10  }
0x92: {  	[smem:s4], [sflag:s15] =	dma.local [hbm:s2], $0x1  }
0x93: {  	_ =	swait.eq [sflag:s15], $0x1  }
0x94: {  	[sflag:s15] =	ssyncset.done $0x0  }
0x95: {  	[sflag:s15] =	ssyncadd.s32 $0xFFFFFFFF  }
0x96: {  	s16 =	sld [smem:$0x10];
	(tm) =	ssettm $0x1  }
0x97: {  	s17 =	sld [smem:$0x3FFB];
	_ =	sdelay $0x3  }
0x98: {  	_ =	strace s17  }
0x99: {  	s3 =	sld [smem:$0x3FFC];
	_ =	sdelay $0x3  }
0x9a: {  	_ =	strace s3  }
0x9b: {  	s3 =	sld [smem:$0x3FFD];
	_ =	sdelay $0x3  }
0x9c: {  	_ =	strace s3  }
0x9d: {  	_ =	strace $0x8FFFFFFF  }
0x9e: {  	s18 =	sld [smem:$0x3FDB];
	_ =	sdelay $0x1  }
0x9f: {  	s19 =	simm.s32 $_scs_section_size  }
0xa0: {  	s5 =	simm.s32 $_size__tile_overlayer_lowered;
	s6 =	simm.s32 $_tile_overlayer_lowered  }
0xa1: {  	s22 =	simm.s32 $0x1BFF;
	s21 =	sshll.u32 s6, $0x1;
	s3 =	sadd.s32 s19, s18  }
0xa2: {  	s7 =	simm.s32 $0x0;
	s20 =	sshll.u32 s5, $0x1;
	s5 =	sadd.s32 s21, s3  }
0xa3: {  	[timem:s7], [sflag:s22] =	dma.local [hbm:s5], s20  }
0xa4: {  	_ =	swait.ge [sflag:s22], s20  }
0xa5: {  	s4 =	ssub.s32 $0x0, s20;
	[sflag:s22] =	ssyncset.done $0x0  }
0xa6: {  	[sflag:s22] =	ssyncadd.s32 s4;
	_ =	sdelay $0x1  }
0xa7: {  	s23 =	simm.s32 $0x1B8B  }
0xa8: {  	_ =	swait.ge [sflag:s23], $0x1  }
0xa9: {  	[sflag:s23] =	ssyncset.done $0x0  }
0xaa: {  	s25 =	simm.s32 $0x1B8E;
	s24 =	sld [smem:$0x3FFE];
	[sflag:s23] =	ssyncadd.s32 $0xFFFFFFFF  }
0xab: {  	s26 =	simm.s32 $execute0_lowered;
	[smem:$0x3FD2] =	sst s25  }
0xac: {  	s5 =	sshll.u32 s26, $0x1;
	_ =	strace $0x80000046;
	[dreg:$0x1] =	wrdreg $0xFFFFFFFF  }
0xad: {  	s28 =	simm.s32 $_size_execute0_lowered;
	s3 =	sadd.s32 s3, s5;
	[dreg:$0x0] =	wrdreg $0x0  }
0xae: {  	s5 =	sshll.u32 s28, $0x1;
	[dreg:$0x2] =	wrdreg s3  }
0xaf: {  	[dreg:$0x3] =	wrdreg s5  }
0xb0: {  	[dreg:$0x4] =	wrdreg $0xC0  }
0xb1: {  	_ =	task [dreg:s7], $0x5FFFF  }
0xb2: {  	[dreg:$0x1] =	wrdreg $0xFFFFFFFF  }
0xb3: {  	[dreg:$0x0] =	wrdreg $0x60  }
0xb4: {  	[dreg:$0x2] =	wrdreg s24  }
0xb5: {  	[dreg:$0x3] =	wrdreg s16  }
0xb6: {  	[dreg:$0x4] =	wrdreg $0x9  }
0xb7: {  	_ =	task.clear_ibuf [dreg:s7], $0x5FFFF;
	_ =	strace $0x90000046  }
0xb8: {  	s29 =	simm.s32 $0x9;
	_ =	strace $0x80000048  }
0xb9: {  	_ =	swait.ge [sflag:s29], $0x1  }
0xba: {  	[sflag:s29] =	ssyncadd.s32 $0xFFFFFFFF  }
0xbb: {  	_ =	strace $0x90000048  }
0xbc: {  	_ =	sfence  }
0xbd: {  	s30 =	sld [smem:$0x0];
	_ =	sdelay $0x2  }
0xbe: {  	s31 =	sshll.u32 s1, $0xD;
	s1 =	sshrl.u32 s1, $0x2  }
0xbf: {  	s3 =	sand.u32 $0x4000, s31;
	s1 =	sadd.s32 s1, s30  }
0xc0: {  	s0 =	sor.u32 s3, s0;
	s1 =	sshll.u32 s1, $0x11  }
0xc1: {  	s0 =	sor.u32 s1, s0  }
0xc2: {  	s0 =	sadd.s32 $0x8F2B, s0  }
0xc3: {  	[sflag:s0] =	ssyncadd.remote.s32 $0x1  }
0xc4: {  	_ =	sfence.sel $0xFFFF  }
0xc5: {  	[dreg:$0x0] =	wrdreg $0xFFFFFFFF;
	(pc) =	sbr.abs _section_cstart, $3  }
0xc6: {  	[dreg:$0x1] =	wrdreg $0xFFFFFFFF  }
0xc7: {  	_ =	task.clear_ibuf [dreg:s7], $0x2FFFF;
	_ =	strace $0x9FFFFFFF  }
0xc8: {  	(tm) =	ssettm $0x7FFFFFFF  }
0xc9: {  	_ =	shalt  }
tec
execute0_lowered:
.L_overlay_start_1:
0x0: {  	(tag) =	ssettag $0x1  }
0x1: {  	s1 =	srdreg.scid;
	s3 =	rddreg [dreg:$0x0]  }
0x2: {  	s0 =	stileid.u32;
	s5 =	rddreg [dreg:$0x1]  }
0x3: {  	s15 =	simm.s32 $0x980;
	s16 =	simm.s32 $0x1180;
	s17 =	simm.s32 $0x1980  }
0x4: {  	s18 =	simm.s32 $0x2180;
	s1 =	sand.u32 $0x1, s1;
	s2 =	sshll.u32 s0, $0x1  }
0x5: {  	s19 =	simm.s32 $0x2980;
	s4 =	sor.u32 s1, s2;
	s2 =	simm.s32 $0x0  }
0x6: {  	s20 =	simm.s32 $0x3180;
	s21 =	simm.s32 $0x3980;
	[smem:$0x7FF] =	sst s2  }
0x7: {  	s23 =	simm.s32 $0x4180;
	_ =	strace $0x80000047;
	[dreg:$0x5] =	wrdreg s15  }
0x8: {  	s24 =	simm.s32 $0x4980;
	s25 =	simm.s32 $0x5180;
	[dreg:$0x6] =	wrdreg s16  }
0x9: {  	s26 =	simm.s32 $0x5980;
	s8 =	simm.s32 $0x6980;
	[dreg:$0x7] =	wrdreg s17  }
0xa: {  	s9 =	simm.s32 $0x7180;
	s10 =	simm.s32 $0x7980;
	[dreg:$0x8] =	wrdreg s18  }
0xb: {  	s11 =	simm.s32 $0x8180;
	s12 =	simm.s32 $0x8980;
	[dreg:$0x9] =	wrdreg s19  }
0xc: {  	s13 =	simm.s32 $0x9180;
	s14 =	simm.s32 $0x9980;
	[dreg:$0xa] =	wrdreg s20  }
0xd: {  	s28 =	simm.s32 $0x10180;
	s29 =	simm.s32 $0x10980;
	[dreg:$0xb] =	wrdreg s21  }
0xe: {  	s30 =	simm.s32 $0x11180;
	s31 =	simm.s32 $0x11980;
	[dreg:$0xc] =	wrdreg s23  }
0xf: {  	s1 =	ssub.s32 $0x2, s1;
	s6 =	smul.u32 $0x24, s4;
	[dreg:$0xd] =	wrdreg s24  }
0x10: {  	s4 =	smul.u32 $0x2400, s4;
	s22 =	sshrl.u32 s1, $0x1;
	[dreg:$0xe] =	wrdreg s25  }
0x11: {  	s1 =	ssub.s32 s1, s22;
	[dreg:$0xf] =	wrdreg s26;
	s15 =	simm.s32 $0xA180  }
0x12: {  	s16 =	simm.s32 $0xA980;
	s17 =	simm.s32 $0xB180;
	s18 =	simm.s32 $0xB980  }
0x13: {  	s19 =	simm.s32 $0xC180;
	s20 =	simm.s32 $0xC980;
	s21 =	simm.s32 $0xD180  }
0x14: {  	s22 =	simm.s32 $0xD980;
	s23 =	simm.s32 $0xE180;
	s24 =	simm.s32 $0xE980  }
0x15: {  	s25 =	simm.s32 $0xF180;
	s26 =	simm.s32 $0xF980;
	s6 =	sadd.s32 s6, s3  }
0x16: {  	v2 =	vlaneseq.u32;
	s4 =	sadd.s32 s5, s4;
	s3 =	sadd.s32 $0xC00, s3;
	s5 =	simm.s32 $0x2  }
0x17: {  	vm0 =	vmmov $0xffff;
	v1 =	vshrl.u32 v2, $0x3;
	s6 =	sadd.s32 $0x40C00, s6;
	[dreg:$0x4] =	wrdreg s4;
	s4 =	smax.u32 s1, $0x1  }
0x18: {  	v0 =	vand.u32 $0x7, v2;
	v2 =	vor.u32 $0x8, v2;
	v1 =	vmul.u32 $0x8, v1;
	s1 =	simm.s32 $0x1;
	[dreg:$0x3] =	wrdreg s6;
	s6 =	simm.s32 $0x180  }
.LBB2_1:
0x19: {  	s0 =	rddreg [dreg:$0x3]  }
0x1a: {  	[tilespmem:s2], [sflag:$0x2] =	stream.linear.gather [hbm4b:s0+s2], $0x120, $0x38;
	[tilespmem:$0x12180] =	vst v63  }
0x1b: {  	_ =	swait.ge [sflag:s5], $0x120  }
0x1c: {  	[sflag:s5] =	ssyncset.done $0x0  }
0x1d: {  	[sflag:s5] =	ssyncadd.s32 $0xFFFFFEE0  }
0x1e: {  	v3 =	vld [tilespmem:$0x0];
	_ =	sdelay $0x4  }
0x1f: {  	v4 =	vshll.u32 v3, $0x1  }
0x20: {  	v3 =	vand.u32 $0x7, v3;
	v4 =	vand.u32 $0xFFFFFFF0, v4  }
0x21: {  	v3 =	vor.u32 v3, v4  }
0x22: {  	v4 =	vperm.xlane v3, v0;
	_ =	sdelay $0x1  }
0x23: {  	v3 =	vperm.xlane v3, v2;
	v4 =	vadd.s32 v1, v4;
	_ =	sdelay $0x1  }
0x24: {  	v3 =	vadd.s32 v1, v3;
	_ =	sdelay $0x2  }
0x25: {  	[tilespmem:s6], [sflag:$0x1] =	stream.indirect_vreg.gather [hbm4b:s3+s2], $0x80, v4, vm0, $0xb8;
	[tilespmem:$0x12180] =	vst v63  }
0x26: {  	s7 =	rddreg [dreg:$0x5]  }
0x27: {  	[tilespmem:s7], [sflag:$0x1] =	stream.indirect_vreg.gather [hbm4b:s3+s2], $0x80, v3, vm0, $0xb8;
	[tilespmem:$0x12180] =	vst v63  }
0x28: {  	v3 =	vld [tilespmem:$0x10];
	_ =	sdelay $0x4  }
0x29: {  	v47 =	vshll.u32 v3, $0x1  }
0x2a: {  	v3 =	vand.u32 $0x7, v3;
	v4 =	vand.u32 $0xFFFFFFF0, v47  }
0x2b: {  	v3 =	vor.u32 v3, v4  }
0x2c: {  	v4 =	vperm.xlane v3, v0;
	_ =	sdelay $0x1  }
0x2d: {  	v3 =	vperm.xlane v3, v2;
	v4 =	vadd.s32 v1, v4;
	_ =	sdelay $0x1  }
0x2e: {  	v3 =	vadd.s32 v1, v3;
	_ =	sdelay $0x1  }
0x2f: {  	s0 =	rddreg [dreg:$0x6]  }
0x30: {  	[tilespmem:s0], [sflag:$0x1] =	stream.indirect_vreg.gather [hbm4b:s3+s2], $0x80, v4, vm0, $0xb8;
	[tilespmem:$0x12180] =	vst v63  }
0x31: {  	s7 =	rddreg [dreg:$0x7]  }
0x32: {  	[tilespmem:s7], [sflag:$0x1] =	stream.indirect_vreg.gather [hbm4b:s3+s2], $0x80, v3, vm0, $0xb8;
	[tilespmem:$0x12180] =	vst v63  }
0x33: {  	v3 =	vld [tilespmem:$0x20];
	_ =	sdelay $0x4  }
0x34: {  	v48 =	vshll.u32 v3, $0x1  }
0x35: {  	v3 =	vand.u32 $0x7, v3;
	v4 =	vand.u32 $0xFFFFFFF0, v48  }
0x36: {  	v3 =	vor.u32 v3, v4  }
0x37: {  	v4 =	vperm.xlane v3, v0;
	_ =	sdelay $0x1  }
0x38: {  	v3 =	vperm.xlane v3, v2;
	v4 =	vadd.s32 v1, v4;
	_ =	sdelay $0x1  }
0x39: {  	v3 =	vadd.s32 v1, v3;
	_ =	sdelay $0x1  }
0x3a: {  	s0 =	rddreg [dreg:$0x8]  }
0x3b: {  	[tilespmem:s0], [sflag:$0x1] =	stream.indirect_vreg.gather [hbm4b:s3+s2], $0x80, v4, vm0, $0xb8;
	[tilespmem:$0x12180] =	vst v63  }
0x3c: {  	s7 =	rddreg [dreg:$0x9]  }
0x3d: {  	[tilespmem:s7], [sflag:$0x1] =	stream.indirect_vreg.gather [hbm4b:s3+s2], $0x80, v3, vm0, $0xb8;
	[tilespmem:$0x12180] =	vst v63  }
0x3e: {  	v3 =	vld [tilespmem:$0x30];
	_ =	sdelay $0x4  }
0x3f: {  	v49 =	vshll.u32 v3, $0x1  }
0x40: {  	v3 =	vand.u32 $0x7, v3;
	v4 =	vand.u32 $0xFFFFFFF0, v49  }
0x41: {  	v3 =	vor.u32 v3, v4  }
0x42: {  	v4 =	vperm.xlane v3, v0;
	_ =	sdelay $0x1  }
0x43: {  	v3 =	vperm.xlane v3, v2;
	v4 =	vadd.s32 v1, v4;
	_ =	sdelay $0x1  }
0x44: {  	v3 =	vadd.s32 v1, v3;
	_ =	sdelay $0x1  }
0x45: {  	s0 =	rddreg [dreg:$0xa]  }
0x46: {  	[tilespmem:s0], [sflag:$0x1] =	stream.indirect_vreg.gather [hbm4b:s3+s2], $0x80, v4, vm0, $0xb8;
	[tilespmem:$0x12180] =	vst v63  }
0x47: {  	s7 =	rddreg [dreg:$0xb]  }
0x48: {  	[tilespmem:s7], [sflag:$0x1] =	stream.indirect_vreg.gather [hbm4b:s3+s2], $0x80, v3, vm0, $0xb8;
	[tilespmem:$0x12180] =	vst v63  }
0x49: {  	v3 =	vld [tilespmem:$0x40];
	_ =	sdelay $0x4  }
0x4a: {  	v50 =	vshll.u32 v3, $0x1  }
0x4b: {  	v3 =	vand.u32 $0x7, v3;
	v4 =	vand.u32 $0xFFFFFFF0, v50  }
0x4c: {  	v3 =	vor.u32 v3, v4  }
0x4d: {  	v4 =	vperm.xlane v3, v0;
	_ =	sdelay $0x1  }
0x4e: {  	v3 =	vperm.xlane v3, v2;
	v4 =	vadd.s32 v1, v4;
	_ =	sdelay $0x1  }
0x4f: {  	v3 =	vadd.s32 v1, v3;
	_ =	sdelay $0x1  }
0x50: {  	s0 =	rddreg [dreg:$0xc]  }
0x51: {  	[tilespmem:s0], [sflag:$0x1] =	stream.indirect_vreg.gather [hbm4b:s3+s2], $0x80, v4, vm0, $0xb8;
	[tilespmem:$0x12180] =	vst v63  }
0x52: {  	s7 =	rddreg [dreg:$0xd]  }
0x53: {  	[tilespmem:s7], [sflag:$0x1] =	stream.indirect_vreg.gather [hbm4b:s3+s2], $0x80, v3, vm0, $0xb8;
	[tilespmem:$0x12180] =	vst v63  }
0x54: {  	v3 =	vld [tilespmem:$0x50];
	_ =	sdelay $0x4  }
0x55: {  	v51 =	vshll.u32 v3, $0x1  }
0x56: {  	v3 =	vand.u32 $0x7, v3;
	v4 =	vand.u32 $0xFFFFFFF0, v51  }
0x57: {  	v3 =	vor.u32 v3, v4  }
0x58: {  	v4 =	vperm.xlane v3, v0;
	_ =	sdelay $0x1  }
0x59: {  	v3 =	vperm.xlane v3, v2;
	v4 =	vadd.s32 v1, v4;
	_ =	sdelay $0x1  }
0x5a: {  	v3 =	vadd.s32 v1, v3;
	_ =	sdelay $0x1  }
0x5b: {  	s0 =	rddreg [dreg:$0xe]  }
0x5c: {  	[tilespmem:s0], [sflag:$0x1] =	stream.indirect_vreg.gather [hbm4b:s3+s2], $0x80, v4, vm0, $0xb8;
	[tilespmem:$0x12180] =	vst v63  }
0x5d: {  	s7 =	rddreg [dreg:$0xf]  }
0x5e: {  	[tilespmem:s7], [sflag:$0x1] =	stream.indirect_vreg.gather [hbm4b:s3+s2], $0x80, v3, vm0, $0xb8;
	[tilespmem:$0x12180] =	vst v63  }
0x5f: {  	v3 =	vld [tilespmem:$0x60];
	_ =	sdelay $0x4  }
0x60: {  	v52 =	vshll.u32 v3, $0x1  }
0x61: {  	v3 =	vand.u32 $0x7, v3;
	v4 =	vand.u32 $0xFFFFFFF0, v52  }
0x62: {  	v3 =	vor.u32 v3, v4  }
0x63: {  	v4 =	vperm.xlane v3, v0;
	_ =	sdelay $0x1  }
0x64: {  	v3 =	vperm.xlane v3, v2;
	v4 =	vadd.s32 v1, v4;
	_ =	sdelay $0x1  }
0x65: {  	v3 =	vadd.s32 v1, v3;
	_ =	sdelay $0x1  }
0x66: {  	s7 =	simm.s32 $0x6180  }
0x67: {  	[tilespmem:s7], [sflag:$0x1] =	stream.indirect_vreg.gather [hbm4b:s3+s2], $0x80, v4, vm0, $0xb8;
	[tilespmem:$0x12180] =	vst v63  }
0x68: {  	_ = 	snop  }
0x69: {  	[tilespmem:s8], [sflag:$0x1] =	stream.indirect_vreg.gather [hbm4b:s3+s2], $0x80, v3, vm0, $0xb8;
	[tilespmem:$0x12180] =	vst v63  }
0x6a: {  	v3 =	vld [tilespmem:$0x70];
	_ =	sdelay $0x4  }
0x6b: {  	v53 =	vshll.u32 v3, $0x1  }
0x6c: {  	v3 =	vand.u32 $0x7, v3;
	v4 =	vand.u32 $0xFFFFFFF0, v53  }
0x6d: {  	v3 =	vor.u32 v3, v4  }
0x6e: {  	v4 =	vperm.xlane v3, v0;
	_ =	sdelay $0x1  }
0x6f: {  	v3 =	vperm.xlane v3, v2;
	v4 =	vadd.s32 v1, v4;
	_ =	sdelay $0x1  }
0x70: {  	v3 =	vadd.s32 v1, v3;
	_ =	sdelay $0x2  }
0x71: {  	[tilespmem:s9], [sflag:$0x1] =	stream.indirect_vreg.gather [hbm4b:s3+s2], $0x80, v4, vm0, $0xb8;
	[tilespmem:$0x12180] =	vst v63  }
0x72: {  	_ = 	snop  }
0x73: {  	[tilespmem:s10], [sflag:$0x1] =	stream.indirect_vreg.gather [hbm4b:s3+s2], $0x80, v3, vm0, $0xb8;
	[tilespmem:$0x12180] =	vst v63  }
0x74: {  	v3 =	vld [tilespmem:$0x80];
	_ =	sdelay $0x4  }
0x75: {  	v54 =	vshll.u32 v3, $0x1  }
0x76: {  	v3 =	vand.u32 $0x7, v3;
	v4 =	vand.u32 $0xFFFFFFF0, v54  }
0x77: {  	v3 =	vor.u32 v3, v4  }
0x78: {  	v4 =	vperm.xlane v3, v0;
	_ =	sdelay $0x1  }
0x79: {  	v3 =	vperm.xlane v3, v2;
	v4 =	vadd.s32 v1, v4;
	_ =	sdelay $0x1  }
0x7a: {  	v3 =	vadd.s32 v1, v3;
	_ =	sdelay $0x2  }
0x7b: {  	[tilespmem:s11], [sflag:$0x1] =	stream.indirect_vreg.gather [hbm4b:s3+s2], $0x80, v4, vm0, $0xb8;
	[tilespmem:$0x12180] =	vst v63  }
0x7c: {  	_ = 	snop  }
0x7d: {  	[tilespmem:s12], [sflag:$0x1] =	stream.indirect_vreg.gather [hbm4b:s3+s2], $0x80, v3, vm0, $0xb8;
	[tilespmem:$0x12180] =	vst v63  }
0x7e: {  	v3 =	vld [tilespmem:$0x90];
	_ =	sdelay $0x4  }
0x7f: {  	v55 =	vshll.u32 v3, $0x1  }
0x80: {  	v3 =	vand.u32 $0x7, v3;
	v4 =	vand.u32 $0xFFFFFFF0, v55  }
0x81: {  	v3 =	vor.u32 v3, v4  }
0x82: {  	v4 =	vperm.xlane v3, v0;
	_ =	sdelay $0x1  }
0x83: {  	v3 =	vperm.xlane v3, v2;
	v4 =	vadd.s32 v1, v4;
	_ =	sdelay $0x1  }
0x84: {  	v3 =	vadd.s32 v1, v3;
	_ =	sdelay $0x2  }
0x85: {  	[tilespmem:s13], [sflag:$0x1] =	stream.indirect_vreg.gather [hbm4b:s3+s2], $0x80, v4, vm0, $0xb8;
	[tilespmem:$0x12180] =	vst v63  }
0x86: {  	_ = 	snop  }
0x87: {  	[tilespmem:s14], [sflag:$0x1] =	stream.indirect_vreg.gather [hbm4b:s3+s2], $0x80, v3, vm0, $0xb8;
	[tilespmem:$0x12180] =	vst v63  }
0x88: {  	v3 =	vld [tilespmem:$0xA0];
	_ =	sdelay $0x4  }
0x89: {  	v56 =	vshll.u32 v3, $0x1  }
0x8a: {  	v3 =	vand.u32 $0x7, v3;
	v4 =	vand.u32 $0xFFFFFFF0, v56  }
0x8b: {  	v3 =	vor.u32 v3, v4  }
0x8c: {  	v4 =	vperm.xlane v3, v0;
	_ =	sdelay $0x1  }
0x8d: {  	v3 =	vperm.xlane v3, v2;
	v4 =	vadd.s32 v1, v4;
	_ =	sdelay $0x1  }
0x8e: {  	v3 =	vadd.s32 v1, v3;
	_ =	sdelay $0x2  }
0x8f: {  	[tilespmem:s15], [sflag:$0x1] =	stream.indirect_vreg.gather [hbm4b:s3+s2], $0x80, v4, vm0, $0xb8;
	[tilespmem:$0x12180] =	vst v63  }
0x90: {  	_ = 	snop  }
0x91: {  	[tilespmem:s16], [sflag:$0x1] =	stream.indirect_vreg.gather [hbm4b:s3+s2], $0x80, v3, vm0, $0xb8;
	[tilespmem:$0x12180] =	vst v63  }
0x92: {  	v3 =	vld [tilespmem:$0xB0];
	_ =	sdelay $0x4  }
0x93: {  	v57 =	vshll.u32 v3, $0x1  }
0x94: {  	v3 =	vand.u32 $0x7, v3;
	v4 =	vand.u32 $0xFFFFFFF0, v57  }
0x95: {  	v3 =	vor.u32 v3, v4  }
0x96: {  	v4 =	vperm.xlane v3, v0;
	_ =	sdelay $0x1  }
0x97: {  	v3 =	vperm.xlane v3, v2;
	v4 =	vadd.s32 v1, v4;
	_ =	sdelay $0x1  }
0x98: {  	v3 =	vadd.s32 v1, v3;
	_ =	sdelay $0x2  }
0x99: {  	[tilespmem:s17], [sflag:$0x1] =	stream.indirect_vreg.gather [hbm4b:s3+s2], $0x80, v4, vm0, $0xb8;
	[tilespmem:$0x12180] =	vst v63  }
0x9a: {  	_ = 	snop  }
0x9b: {  	[tilespmem:s18], [sflag:$0x1] =	stream.indirect_vreg.gather [hbm4b:s3+s2], $0x80, v3, vm0, $0xb8;
	[tilespmem:$0x12180] =	vst v63  }
0x9c: {  	v3 =	vld [tilespmem:$0xC0];
	_ =	sdelay $0x4  }
0x9d: {  	v58 =	vshll.u32 v3, $0x1  }
0x9e: {  	v3 =	vand.u32 $0x7, v3;
	v4 =	vand.u32 $0xFFFFFFF0, v58  }
0x9f: {  	v3 =	vor.u32 v3, v4  }
0xa0: {  	v4 =	vperm.xlane v3, v0;
	_ =	sdelay $0x1  }
0xa1: {  	v3 =	vperm.xlane v3, v2;
	v4 =	vadd.s32 v1, v4;
	_ =	sdelay $0x1  }
0xa2: {  	v3 =	vadd.s32 v1, v3;
	_ =	sdelay $0x2  }
0xa3: {  	[tilespmem:s19], [sflag:$0x1] =	stream.indirect_vreg.gather [hbm4b:s3+s2], $0x80, v4, vm0, $0xb8;
	[tilespmem:$0x12180] =	vst v63  }
0xa4: {  	_ = 	snop  }
0xa5: {  	[tilespmem:s20], [sflag:$0x1] =	stream.indirect_vreg.gather [hbm4b:s3+s2], $0x80, v3, vm0, $0xb8;
	[tilespmem:$0x12180] =	vst v63  }
0xa6: {  	v3 =	vld [tilespmem:$0xD0];
	_ =	sdelay $0x4  }
0xa7: {  	v59 =	vshll.u32 v3, $0x1  }
0xa8: {  	v3 =	vand.u32 $0x7, v3;
	v4 =	vand.u32 $0xFFFFFFF0, v59  }
0xa9: {  	v3 =	vor.u32 v3, v4  }
0xaa: {  	v4 =	vperm.xlane v3, v0;
	_ =	sdelay $0x1  }
0xab: {  	v3 =	vperm.xlane v3, v2;
	v4 =	vadd.s32 v1, v4;
	_ =	sdelay $0x1  }
0xac: {  	v3 =	vadd.s32 v1, v3;
	_ =	sdelay $0x2  }
0xad: {  	[tilespmem:s21], [sflag:$0x1] =	stream.indirect_vreg.gather [hbm4b:s3+s2], $0x80, v4, vm0, $0xb8;
	[tilespmem:$0x12180] =	vst v63  }
0xae: {  	_ = 	snop  }
0xaf: {  	[tilespmem:s22], [sflag:$0x1] =	stream.indirect_vreg.gather [hbm4b:s3+s2], $0x80, v3, vm0, $0xb8;
	[tilespmem:$0x12180] =	vst v63  }
0xb0: {  	v3 =	vld [tilespmem:$0xE0];
	_ =	sdelay $0x4  }
0xb1: {  	v60 =	vshll.u32 v3, $0x1  }
0xb2: {  	v3 =	vand.u32 $0x7, v3;
	v4 =	vand.u32 $0xFFFFFFF0, v60  }
0xb3: {  	v3 =	vor.u32 v3, v4  }
0xb4: {  	v4 =	vperm.xlane v3, v0;
	_ =	sdelay $0x1  }
0xb5: {  	v3 =	vperm.xlane v3, v2;
	v4 =	vadd.s32 v1, v4;
	_ =	sdelay $0x1  }
0xb6: {  	v3 =	vadd.s32 v1, v3;
	_ =	sdelay $0x2  }
0xb7: {  	[tilespmem:s23], [sflag:$0x1] =	stream.indirect_vreg.gather [hbm4b:s3+s2], $0x80, v4, vm0, $0xb8;
	[tilespmem:$0x12180] =	vst v63  }
0xb8: {  	_ = 	snop  }
0xb9: {  	[tilespmem:s24], [sflag:$0x1] =	stream.indirect_vreg.gather [hbm4b:s3+s2], $0x80, v3, vm0, $0xb8;
	[tilespmem:$0x12180] =	vst v63  }
0xba: {  	v3 =	vld [tilespmem:$0xF0];
	_ =	sdelay $0x4  }
0xbb: {  	v61 =	vshll.u32 v3, $0x1  }
0xbc: {  	v3 =	vand.u32 $0x7, v3;
	v4 =	vand.u32 $0xFFFFFFF0, v61  }
0xbd: {  	v3 =	vor.u32 v3, v4  }
0xbe: {  	v4 =	vperm.xlane v3, v0;
	_ =	sdelay $0x1  }
0xbf: {  	v3 =	vperm.xlane v3, v2;
	v4 =	vadd.s32 v1, v4;
	_ =	sdelay $0x1  }
0xc0: {  	v3 =	vadd.s32 v1, v3;
	_ =	sdelay $0x2  }
0xc1: {  	[tilespmem:s25], [sflag:$0x1] =	stream.indirect_vreg.gather [hbm4b:s3+s2], $0x80, v4, vm0, $0xb8;
	[tilespmem:$0x12180] =	vst v63  }
0xc2: {  	_ = 	snop  }
0xc3: {  	[tilespmem:s26], [sflag:$0x1] =	stream.indirect_vreg.gather [hbm4b:s3+s2], $0x80, v3, vm0, $0xb8;
	[tilespmem:$0x12180] =	vst v63  }
0xc4: {  	v3 =	vld [tilespmem:$0x100];
	_ =	sdelay $0x4  }
0xc5: {  	v62 =	vshll.u32 v3, $0x1  }
0xc6: {  	v3 =	vand.u32 $0x7, v3;
	v4 =	vand.u32 $0xFFFFFFF0, v62  }
0xc7: {  	v3 =	vor.u32 v3, v4  }
0xc8: {  	v4 =	vperm.xlane v3, v0;
	_ =	sdelay $0x1  }
0xc9: {  	v3 =	vperm.xlane v3, v2;
	v4 =	vadd.s32 v1, v4;
	_ =	sdelay $0x1  }
0xca: {  	v3 =	vadd.s32 v1, v3;
	_ =	sdelay $0x2  }
0xcb: {  	[tilespmem:s28], [sflag:$0x1] =	stream.indirect_vreg.gather [hbm4b:s3+s2], $0x80, v4, vm0, $0xb8;
	[tilespmem:$0x12180] =	vst v63  }
0xcc: {  	_ = 	snop  }
0xcd: {  	[tilespmem:s29], [sflag:$0x1] =	stream.indirect_vreg.gather [hbm4b:s3+s2], $0x80, v3, vm0, $0xb8;
	[tilespmem:$0x12180] =	vst v63  }
0xce: {  	v3 =	vld [tilespmem:$0x110];
	_ =	sdelay $0x4  }
0xcf: {  	v63 =	vshll.u32 v3, $0x1  }
0xd0: {  	v3 =	vand.u32 $0x7, v3;
	v4 =	vand.u32 $0xFFFFFFF0, v63  }
0xd1: {  	v3 =	vor.u32 v3, v4  }
0xd2: {  	v4 =	vperm.xlane v3, v0;
	_ =	sdelay $0x1  }
0xd3: {  	v3 =	vperm.xlane v3, v2;
	v4 =	vadd.s32 v1, v4;
	_ =	sdelay $0x1  }
0xd4: {  	v3 =	vadd.s32 v1, v3;
	_ =	sdelay $0x2  }
0xd5: {  	[tilespmem:s30], [sflag:$0x1] =	stream.indirect_vreg.gather [hbm4b:s3+s2], $0x80, v4, vm0, $0xb8;
	[tilespmem:$0x12180] =	vst v63  }
0xd6: {  	_ = 	snop  }
0xd7: {  	[tilespmem:s31], [sflag:$0x1] =	stream.indirect_vreg.gather [hbm4b:s3+s2], $0x80, v3, vm0, $0xb8;
	[tilespmem:$0x12180] =	vst v63  }
0xd8: {  	_ =	swait.ge [sflag:s1], $0x12000  }
0xd9: {  	p0 =	sne.s32 s4, $0x1;
	[sflag:s1] =	ssyncset.done $0x0  }
.Ltmp0:
0xda: {  	s7 =	rddreg [dreg:$0x4];
	[sflag:s1] =	ssyncadd.s32 $0xFFFEE000;
	(pc) =	sbr.rel @p0 .LBB2_1-.Ltmp0, $4  }
0xdb: {  	[hbm4b:s7+s2] =	stream.linear.scatter [tilespmem:s6], [sflag:$0x2], $0x12000, $0x38;
	[tilespmem:$0x12180] =	vst v63  }
0xdc: {  	_ =	swait.ge [sflag:s5], $0x12000  }
0xdd: {  	[sflag:s5] =	ssyncset.done $0x0  }
0xde: {  	s4 =	sadd.s32 $0xFFFFFFFF, s4;
	[sflag:s5] =	ssyncadd.s32 $0xFFFEE000  }
0xdf: {  	_ =	sfence.sel $0x180000  }
0xe0: {  	[bflag:$0x0] =	sbarrier.arrive $0xFFFF  }
0xe1: {  	_ =	strace $0x90000047  }
0xe2: {  	s0 =	stileid.u32;
	[bflag:$0x2] =	sbarrier.arrive $0xFFFF  }
0xe3: {  	p0 =	sne.s32 s0, $0x0;
	s0 =	rddreg [dreg:$0x2]  }
0xe4: {  	s0 =	sadd.s32 @!p0 $0x100000, s0  }
0xe5: {  	[sflag:s0] =	ssyncadd.tile.s32 @!p0 $0x1;
	_ =	shalt  }
.Lfunc_end2:
_tile_overlayer_lowered:
.L_overlay_start_2:
0xe6: {  	(tag) =	ssettag $0x2  }
0xe7: {  	s0 =	rddreg [dreg:$0x0];
	s2 =	stileid.u32  }
0xe8: {  	s1 =	rddreg [dreg:$0x1];
	p0 =	sne.s32 s2, $0x0  }
0xe9: {  	s3 =	rddreg [dreg:$0x2];
	[bflag:$0x3] =	sbarrier.arrive $0xFFFF;
	s2 =	simm.s32 @!p0 $0x1C02  }
0xea: {  	[timem:s3], [sflag:s2] =	dma.local @!p0 [hbm:s0], s1  }
0xeb: {  	s0 =	simm.s32 @!p0 $0x2  }
0xec: {  	_ =	swait.ge @!p0 [sflag:s0], s1  }
0xed: {  	s1 =	ssub.s32 @!p0 $0x0, s1;
	[sflag:s0] =	ssyncset.done @!p0 $0x0  }
0xee: {  	[sflag:s0] =	ssyncadd.s32 @!p0 s1  }
0xef: {  	[bflag:$0x3] =	sbarrier.arrive $0xFFFF  }
0xf0: {  	_ =	shalt  }

</sc_bundles>
